<compile_context>
chip_gen: v7x
topology: tpu7x:2x2x1
jax: 0.10.2.dev20260603
libtpu: 0.0.44.dev20260713+nightly
codegen_flags: <defaults>
</compile_context>

<pallas_src>
import functools

import jax
import jax.numpy as jnp
from jax import lax
from jax.experimental import pallas as pl
from jax.experimental.pallas import tpu as pltpu
from jax.experimental.pallas import tpu_sc as plsc

N_CB = 8
K = 1024
CD = 128
NTOK = 16384
TB = 512


def _dist_argmin_body(z_ref, w_ref, idx_ref, loss_ref):
    i = pl.program_id(0)
    t = pl.program_id(1)

    @pl.when((i == 0) & (t == 0))
    def _():
        loss_ref[...] = jnp.zeros_like(loss_ref)

    r = z_ref[0]
    w = w_ref[0]
    r2 = jnp.sum(r * r, axis=1, keepdims=True)
    w2 = jnp.sum(w * w, axis=1)
    lhs = (2.0 * r).astype(jnp.bfloat16)
    rhs = w.astype(jnp.bfloat16)
    mm = lax.dot_general(lhs, rhs, (((1,), (1,)), ((), ())),
                         preferred_element_type=jnp.float32)
    dist = (r2 + w2[None, :]) - mm
    mind = jnp.min(dist, axis=1, keepdims=True)
    ids = lax.broadcasted_iota(jnp.int32, dist.shape, 1)
    idx_ref[0, 0, :] = jnp.min(
        jnp.where(dist == mind, ids, jnp.int32(2**30)), axis=1)
    loss_ref[...] = loss_ref[...] + jnp.sum(mind)


def _dist_argmin(zt, W):
    return pl.pallas_call(
        _dist_argmin_body,
        grid=(N_CB, NTOK // TB),
        in_specs=[
            pl.BlockSpec((1, TB, CD), lambda i, t: (i, t, 0)),
            pl.BlockSpec((1, K, CD), lambda i, t: (i, 0, 0)),
        ],
        out_specs=[
            pl.BlockSpec((1, 1, TB), lambda i, t: (i, 0, t)),
            pl.BlockSpec((1, 1), lambda i, t: (0, 0)),
        ],
        out_shape=[
            jax.ShapeDtypeStruct((N_CB, 1, NTOK), jnp.int32),
            jax.ShapeDtypeStruct((1, 1), jnp.float32),
        ],
    )(zt, W)



_SC_INFO = plsc.get_sparse_core_info()
_NC = _SC_INFO.num_cores
_NS = _SC_INFO.num_subcores
_NW = _NC * _NS
_ROWS = N_CB * NTOK
_PER_W = _ROWS // _NW
_CHUNK = 128
_NITER = _PER_W // _CHUNK


@functools.partial(
    pl.kernel,
    mesh=plsc.VectorSubcoreMesh(core_axis_name="c", subcore_axis_name="s"),
    out_type=jax.ShapeDtypeStruct((_ROWS, CD), jnp.float32),
    scratch_types=[
        pltpu.VMEM((_CHUNK,), jnp.int32),
        pltpu.VMEM((_CHUNK, CD), jnp.float32),
        pltpu.SemaphoreType.DMA,
    ],
)
def _sc_gather(table_hbm, idx_hbm, out_hbm, idx_v, rows_v, sem):
    wid = lax.axis_index("s") * _NC + lax.axis_index("c")
    base = wid * _PER_W

    def step(j, carry):
        off = base + j * _CHUNK
        pltpu.sync_copy(idx_hbm.at[pl.ds(off, _CHUNK)], idx_v)
        pltpu.async_copy(table_hbm.at[idx_v], rows_v, sem).wait()
        pltpu.sync_copy(rows_v, out_hbm.at[pl.ds(off, _CHUNK)])
        return carry

    lax.fori_loop(0, _NITER, step, 0)


def kernel(z, W):
    Bz, Tz, Dz = z.shape
    zt = z.reshape(NTOK, N_CB, CD).transpose(1, 0, 2)
    idx8, loss = _dist_argmin(zt, W)
    idx2 = idx8.reshape(N_CB, NTOK)

    gidx = (idx2 + (jnp.arange(N_CB, dtype=jnp.int32) * K)[:, None])
    gidx_flat = gidx.T.reshape(_ROWS)

    zq_rows = _sc_gather(W.reshape(N_CB * K, CD), gidx_flat)
    z_q = zq_rows.reshape(Bz, Tz, Dz)

    indices = idx2.reshape(N_CB, Bz, Tz).transpose(1, 0, 2)
    total_loss = loss[0, 0] / jnp.float32(NTOK * CD)
    return z_q, indices, total_loss

# --- scband reference (transcript-rebuilt; emitter-appended) ---
"""Pipeline reference for scband-residual-vector-quantizer-44753559224654 (READ-ONLY COPY).

The authoritative reference and input builder live on the scoring server;
editing this copy changes nothing except your own understanding.
"""

import jax, jax.numpy as jnp
import numpy as np

N_CODEBOOKS = 8
CODEBOOK_SIZE = 1024
CODEBOOK_DIM = 128
B, T = 8, 2048
D = N_CODEBOOKS * CODEBOOK_DIM


def setup_inputs(seed: int = 0) -> dict:
    key = jax.random.key(seed)
    k1, k2 = jax.random.split(key)
    z = jax.random.normal(k1, (B, T, D), dtype=jnp.float32)
    # codebook weights, one table per codebook, like nn.Embedding default init N(0,1)
    W = jax.random.normal(k2, (N_CODEBOOKS, CODEBOOK_SIZE, CODEBOOK_DIM), dtype=jnp.float32)
    return {"z": z, "W": W}


def reference(z, W):
    Bz, Tz, Dz = z.shape
    n_cb, K, cd = W.shape
    z_reshaped = z.reshape(Bz, Tz, n_cb, cd).transpose(0, 2, 1, 3)  # [B, n_cb, T, cd]
    indices_list = []
    z_q_list = []
    total_loss = jnp.asarray(0.0, dtype=z.dtype)
    residual = z_reshaped  # note: original torch code clones but never subtracts quantized vectors
    for i in range(n_cb):
        residual_flat = residual[:, i, :, :].reshape(-1, cd)  # [B*T, cd]
        cw = W[i]  # [K, cd]
        distances = (jnp.sum(residual_flat ** 2, axis=1, keepdims=True)
                     + jnp.sum(cw ** 2, axis=1)
                     - 2.0 * residual_flat @ cw.T)  # [B*T, K]
        idx = jnp.argmin(distances, axis=1).reshape(Bz, Tz)  # [B, T]
        indices_list.append(idx)
        q_vec = jnp.take(cw, idx, axis=0)  # [B, T, cd] embedding lookup
        z_q_list.append(q_vec)
        commitment_loss = jnp.mean((jax.lax.stop_gradient(q_vec) - residual[:, i, :, :]) ** 2)
        total_loss = total_loss + commitment_loss
    indices = jnp.stack(indices_list, axis=1)  # [B, n_cb, T]
    z_q = jnp.stack(z_q_list, axis=2).reshape(Bz, Tz, Dz)  # [B, T, D]
    return z_q, indices, total_loss

if __name__ == "__main__":
    import jax
    _d = setup_inputs()
    print(jax.jit(kernel)(*tuple(_d.values())))

</pallas_src>

<mosaic_0001>
#map = affine_map<(d0, d1) -> (0, 0)>
#map1 = affine_map<(d0, d1) -> (0)>
module attributes {stable_mosaic.version = 14 : i64} {
  func.func @_sc_gather(%arg0: i32, %arg1: i32, %arg2: memref<8192x128xf32, #tpu.memory_space<hbm>>, %arg3: memref<131072xi32, #tpu.memory_space<hbm>>, %arg4: memref<131072x128xf32, #tpu.memory_space<hbm>>, %arg5: memref<128xi32, #tpu.memory_space<vmem>>, %arg6: memref<128x128xf32, #tpu.memory_space<vmem>>, %arg7: memref<!tpu.dma_semaphore, #tpu.memory_space<semaphore_mem>>) attributes {dimension_semantics = [#tpu.dimension_semantics<core_parallel>, #tpu.dimension_semantics<subcore_parallel>], iteration_bounds = array<i64: 2, 16>, scalar_prefetch = 0 : i64, scratch_operands = 3 : i64, tpu.core_type = #tpu.core_type<sc_vector_subcore>, window_params = [{transform_indices = #map}, {transform_indices = #map1}, {transform_indices = #map}]} {
    %mul3A = arith.constant 2 : i32
    %mul3A_0 = arith.muli %arg1, %mul3A : i32
    %add3A = arith.addi %mul3A_0, %arg0 : i32
    %mul3A_1 = arith.constant 4096 : i32
    %mul3A_2 = arith.muli %add3A, %mul3A_1 : i32
    %scan3A = arith.constant 0 : i32
    %scan3A_3 = arith.constant 0 : i32
    %scan3A_4 = arith.constant 32 : i32
    %scan3A_5 = arith.addi %scan3A_3, %scan3A_4 : i32
    %scan3A_6 = arith.constant 1 : i32
    scf.for %scan3A_8 = %scan3A_3 to %scan3A_5 step %scan3A_6  : i32 {
      %mul3A_9 = arith.constant 128 : i32
      %mul3A_10 = arith.muli %scan3A_8, %mul3A_9 : i32
      %add3A_11 = arith.addi %mul3A_2, %mul3A_10 : i32
      "tpu.region"() ({
        %run_scoped3A = tpu.sem_alloc : memref<!tpu.dma_semaphore, #tpu.memory_space<semaphore_mem>>
        %dma_start3A_16 = tpu.memref_slice %arg3[%add3A_11] : memref<131072xi32, #tpu.memory_space<hbm>> -> memref<128xi32, #tpu.memory_space<hbm>>
        %dma_start3A_17 = tpu.memref_slice %arg3[%add3A_11] : memref<131072xi32, #tpu.memory_space<hbm>> -> memref<128xi32, #tpu.memory_space<hbm>>
        tpu.enqueue_dma source(%dma_start3A_17 : memref<128xi32, #tpu.memory_space<hbm>>) target(%arg5 : memref<128xi32, #tpu.memory_space<vmem>>) target_semaphore(%run_scoped3A : memref<!tpu.dma_semaphore, #tpu.memory_space<semaphore_mem>>)
        %dma_wait3A_18 = tpu.memref_slice %arg3[%add3A_11] : memref<131072xi32, #tpu.memory_space<hbm>> -> memref<128xi32, #tpu.memory_space<hbm>>
        %dma_wait3A_19 = tpu.memref_slice %arg3[%add3A_11] : memref<131072xi32, #tpu.memory_space<hbm>> -> memref<128xi32, #tpu.memory_space<hbm>>
        tpu.wait_dma2 semaphore(%run_scoped3A : memref<!tpu.dma_semaphore, #tpu.memory_space<semaphore_mem>>) src(%dma_wait3A_19 : memref<128xi32, #tpu.memory_space<hbm>>) dst(%arg5 : memref<128xi32, #tpu.memory_space<vmem>>)
        tpu.yield
      }) : () -> ()
      %dma_start3A = arith.constant 0 : i32
      %dma_start3A_12 = arith.constant 0 : i32
      %dma_start3A_13 = tpu.memref_slice %arg2[%dma_start3A, %dma_start3A_12] : memref<8192x128xf32, #tpu.memory_space<hbm>> -> memref<8192x128xf32, #tpu.memory_space<hbm>>
      tpu.enqueue_indirect_dma source(%dma_start3A_13 : memref<8192x128xf32, #tpu.memory_space<hbm>>) target(%arg6 : memref<128x128xf32, #tpu.memory_space<vmem>>) offsets(%arg5 : memref<128xi32, #tpu.memory_space<vmem>>) semaphore(%arg7 : memref<!tpu.dma_semaphore, #tpu.memory_space<semaphore_mem>>)
      %dma_wait3A = arith.constant 0 : i32
      %dma_wait3A_14 = arith.constant 0 : i32
      %dma_wait3A_15 = tpu.memref_slice %arg2[%dma_wait3A, %dma_wait3A_14] : memref<8192x128xf32, #tpu.memory_space<hbm>> -> memref<8192x128xf32, #tpu.memory_space<hbm>>
      tpu.wait_indirect_dma semaphore(%arg7 : memref<!tpu.dma_semaphore, #tpu.memory_space<semaphore_mem>>) src(%dma_wait3A_15 : memref<8192x128xf32, #tpu.memory_space<hbm>>) dst(%arg6 : memref<128x128xf32, #tpu.memory_space<vmem>>)
      "tpu.region"() ({
        %run_scoped3A = tpu.sem_alloc : memref<!tpu.dma_semaphore, #tpu.memory_space<semaphore_mem>>
        %dma_start3A_16 = arith.constant 0 : i32
        %dma_start3A_17 = tpu.memref_slice %arg4[%add3A_11, %dma_start3A_16] : memref<131072x128xf32, #tpu.memory_space<hbm>> -> memref<128x128xf32, #tpu.memory_space<hbm>>
        %dma_start3A_18 = arith.constant 0 : i32
        %dma_start3A_19 = tpu.memref_slice %arg4[%add3A_11, %dma_start3A_18] : memref<131072x128xf32, #tpu.memory_space<hbm>> -> memref<128x128xf32, #tpu.memory_space<hbm>>
        tpu.enqueue_dma source(%arg6 : memref<128x128xf32, #tpu.memory_space<vmem>>) target(%dma_start3A_19 : memref<128x128xf32, #tpu.memory_space<hbm>>) target_semaphore(%run_scoped3A : memref<!tpu.dma_semaphore, #tpu.memory_space<semaphore_mem>>)
        %dma_wait3A_20 = arith.constant 0 : i32
        %dma_wait3A_21 = tpu.memref_slice %arg4[%add3A_11, %dma_wait3A_20] : memref<131072x128xf32, #tpu.memory_space<hbm>> -> memref<128x128xf32, #tpu.memory_space<hbm>>
        %dma_wait3A_22 = arith.constant 0 : i32
        %dma_wait3A_23 = tpu.memref_slice %arg4[%add3A_11, %dma_wait3A_22] : memref<131072x128xf32, #tpu.memory_space<hbm>> -> memref<128x128xf32, #tpu.memory_space<hbm>>
        tpu.wait_dma2 semaphore(%run_scoped3A : memref<!tpu.dma_semaphore, #tpu.memory_space<semaphore_mem>>) src(%arg6 : memref<128x128xf32, #tpu.memory_space<vmem>>) dst(%dma_wait3A_23 : memref<128x128xf32, #tpu.memory_space<hbm>>)
        tpu.yield
      }) : () -> ()
    }
    %scan3A_7 = arith.constant 32 : i32
    return
  }
}

module attributes {stable_mosaic.version = 14 : i64} {
  func.func @_dist_argmin_body(%arg0: i32, %arg1: i32, %arg2: memref<1x512x128xf32, #tpu.memory_space<vmem>>, %arg3: memref<1x1024x128xf32, #tpu.memory_space<vmem>>, %arg4: memref<1x1x512xi32, #tpu.memory_space<vmem>>, %arg5: memref<1x1xf32, #tpu.memory_space<vmem>>) attributes {dimension_semantics = [#tpu.dimension_semantics<arbitrary>, #tpu.dimension_semantics<arbitrary>], iteration_bounds = array<i64: 8, 32>, scalar_prefetch = 0 : i64, scratch_operands = 0 : i64, tpu.core_type = #tpu.core_type<tc>, window_params = [{transform_indices = @transform_0, window_bounds = array<i64: 1, 512, 128>}, {transform_indices = @transform_1, window_bounds = array<i64: 1, 1024, 128>}, {transform_indices = @transform_2, window_bounds = array<i64: 1, 1, 512>}, {pipeline_mode = #tpu.pipeline_mode<synchronous>, transform_indices = @transform_3, window_bounds = array<i64: 1, 1>}]} {
    %eq3A = arith.constant 0 : i32
    %eq3A_0 = arith.cmpi eq, %arg0, %eq3A : i32
    %eq3A_1 = arith.constant 0 : i32
    %eq3A_2 = arith.cmpi eq, %arg1, %eq3A_1 : i32
    %and3A = arith.andi %eq3A_0, %eq3A_2 : i1
    %convert_element_type3A = arith.extui %and3A : i1 to i32
    %cond3A = arith.constant 0 : i32
    %cond3A_3 = arith.cmpi ne, %convert_element_type3A, %cond3A : i32
    scf.if %cond3A_3 {
      %broadcast_in_dim3A_51 = arith.constant 0.000000e+00 : f32
      %broadcast_in_dim3A_52 = vector.broadcast %broadcast_in_dim3A_51 : f32 to vector<1x1xf32>
      %swap3A_53 = arith.constant 0 : index
      %swap3A_54 = arith.constant 0 : index
      %swap3A_55 = vector.load %arg5[%swap3A_53, %swap3A_54] : memref<1x1xf32, #tpu.memory_space<vmem>>, vector<1x1xf32>
      tpu.vector_store %arg5[%swap3A_53, %swap3A_54], %broadcast_in_dim3A_52 {strides = array<i32>} : memref<1x1xf32, #tpu.memory_space<vmem>>, vector<1x1xf32>,
    } else {
    }
    %get3A = arith.constant 0 : index
    %get3A_4 = arith.constant 0 : index
    %get3A_5 = arith.constant 0 : index
    %get3A_6 = vector.load %arg2[%get3A, %get3A_4, %get3A_5] : memref<1x512x128xf32, #tpu.memory_space<vmem>>, vector<1x512x128xf32>
    %get3A_7 = vector.shape_cast %get3A_6 : vector<1x512x128xf32> to vector<512x128xf32>
    %get3A_8 = arith.constant 0 : index
    %get3A_9 = arith.constant 0 : index
    %get3A_10 = arith.constant 0 : index
    %get3A_11 = vector.load %arg3[%get3A_8, %get3A_9, %get3A_10] : memref<1x1024x128xf32, #tpu.memory_space<vmem>>, vector<1x1024x128xf32>
    %get3A_12 = vector.shape_cast %get3A_11 : vector<1x1024x128xf32> to vector<1024x128xf32>
    %mul3A = arith.mulf %get3A_7, %get3A_7 : vector<512x128xf32>
    %reduce_sum3A = arith.constant dense<0.000000e+00> : vector<512xf32>
    %reduce_sum3A_13 = vector.multi_reduction <add>, %mul3A, %reduce_sum3A [1] : vector<512x128xf32> to vector<512xf32>
    %broadcast_in_dim3A = vector.shape_cast %reduce_sum3A_13 : vector<512xf32> to vector<512x1xf32>
    %mul3A_14 = arith.mulf %get3A_12, %get3A_12 : vector<1024x128xf32>
    %reduce_sum3A_15 = arith.constant dense<0.000000e+00> : vector<1024xf32>
    %reduce_sum3A_16 = vector.multi_reduction <add>, %mul3A_14, %reduce_sum3A_15 [1] : vector<1024x128xf32> to vector<1024xf32>
    %mul3A_17 = arith.constant 2.000000e+00 : f32
    %mul3A_18 = vector.broadcast %mul3A_17 : f32 to vector<512x128xf32>
    %mul3A_19 = arith.mulf %mul3A_18, %get3A_7 : vector<512x128xf32>
    %convert_element_type3A_20 = arith.truncf %mul3A_19 : vector<512x128xf32> to vector<512x128xbf16>
    %convert_element_type3A_21 = arith.truncf %get3A_12 : vector<1024x128xf32> to vector<1024x128xbf16>
    %dot_general3A = arith.constant dense<0.000000e+00> : vector<512x1024xf32>
    %dot_general3A_22 = tpu.matmul %convert_element_type3A_20, %convert_element_type3A_21, %dot_general3A {dimension_numbers = #tpu.dot_dimension_numbers<[1], [1], [0], [0], [0, 0, 1, 0], [], []>, transpose_lhs_hint = false} : vector<512x128xbf16>, vector<1024x128xbf16>, vector<512x1024xf32> -> vector<512x1024xf32>
    %broadcast_in_dim3A_23 = vector.shape_cast %reduce_sum3A_16 : vector<1024xf32> to vector<1x1024xf32>
    %add3A = vector.broadcast %broadcast_in_dim3A : vector<512x1xf32> to vector<512x1024xf32>
    %add3A_24 = vector.broadcast %broadcast_in_dim3A_23 : vector<1x1024xf32> to vector<512x1024xf32>
    %add3A_25 = arith.addf %add3A, %add3A_24 : vector<512x1024xf32>
    %sub3A = arith.subf %add3A_25, %dot_general3A_22 : vector<512x1024xf32>
    %reduce_min3A = arith.constant dense<0x7F800000> : vector<512xf32>
    %reduce_min3A_26 = vector.multi_reduction <minimumf>, %sub3A, %reduce_min3A [1] : vector<512x1024xf32> to vector<512xf32>
    %broadcast_in_dim3A_27 = vector.shape_cast %reduce_min3A_26 : vector<512xf32> to vector<512x1xf32>
    %iota3A = tpu.iota {dimensions = array<i32: 1>} : vector<512x1024xi32>
    %eq3A_28 = vector.broadcast %broadcast_in_dim3A_27 : vector<512x1xf32> to vector<512x1024xf32>
    %eq3A_29 = arith.cmpf oeq, %sub3A, %eq3A_28 : vector<512x1024xf32>
    %jit3A = arith.constant 1073741824 : i32
    %broadcast_in_dim3A_30 = vector.broadcast %jit3A : i32 to vector<512x1024xi32>
    %select_n3A = arith.select %eq3A_29, %iota3A, %broadcast_in_dim3A_30 : vector<512x1024xi1>, vector<512x1024xi32>
    %reduce_min3A_31 = arith.constant dense<2147483647> : vector<512xi32>
    %reduce_min3A_32 = vector.multi_reduction <minsi>, %select_n3A, %reduce_min3A_31 [1] : vector<512x1024xi32> to vector<512xi32>
    %swap3A = arith.constant 0 : index
    %swap3A_33 = arith.constant 0 : index
    %swap3A_34 = arith.constant 0 : index
    %swap3A_35 = vector.load %arg4[%swap3A, %swap3A_33, %swap3A_34] : memref<1x1x512xi32, #tpu.memory_space<vmem>>, vector<1x1x512xi32>
    %swap3A_36 = vector.shape_cast %swap3A_35 : vector<1x1x512xi32> to vector<512xi32>
    %swap3A_37 = vector.shape_cast %reduce_min3A_32 : vector<512xi32> to vector<1x1x512xi32>
    tpu.vector_store %arg4[%swap3A, %swap3A_33, %swap3A_34], %swap3A_37 {strides = array<i32>} : memref<1x1x512xi32, #tpu.memory_space<vmem>>, vector<1x1x512xi32>,
    %get3A_38 = arith.constant 0 : index
    %get3A_39 = arith.constant 0 : index
    %get3A_40 = vector.load %arg5[%get3A_38, %get3A_39] : memref<1x1xf32, #tpu.memory_space<vmem>>, vector<1x1xf32>
    %reduce_sum3A_41 = vector.shape_cast %broadcast_in_dim3A_27 : vector<512x1xf32> to vector<1x512x1xf32>
    %reduce_sum3A_42 = arith.constant dense<0.000000e+00> : vector<1xf32>
    %reduce_sum3A_43 = vector.multi_reduction <add>, %reduce_sum3A_41, %reduce_sum3A_42 [1, 2] : vector<1x512x1xf32> to vector<1xf32>
    %reduce_sum3A_44 = vector.shape_cast %reduce_sum3A_43 : vector<1xf32> to vector<1x1x1xf32>
    %reduce_sum3A_45 = vector.extract %reduce_sum3A_44[0, 0, 0] : f32 from vector<1x1x1xf32>
    %add3A_46 = vector.broadcast %reduce_sum3A_45 : f32 to vector<1x1xf32>
    %add3A_47 = arith.addf %get3A_40, %add3A_46 : vector<1x1xf32>
    %swap3A_48 = arith.constant 0 : index
    %swap3A_49 = arith.constant 0 : index
    %swap3A_50 = vector.load %arg5[%swap3A_48, %swap3A_49] : memref<1x1xf32, #tpu.memory_space<vmem>>, vector<1x1xf32>
    tpu.vector_store %arg5[%swap3A_48, %swap3A_49], %add3A_47 {strides = array<i32>} : memref<1x1xf32, #tpu.memory_space<vmem>>, vector<1x1xf32>,
    return
  }
  func.func @transform_0(%arg0: i32, %arg1: i32) -> (i32, i32, i32) {
    %c0_i32 = arith.constant 0 : i32
    %c0_i32_0 = arith.constant 0 : i32
    return %arg0, %arg1, %c0_i32 : i32, i32, i32
  }
  func.func @transform_1(%arg0: i32, %arg1: i32) -> (i32, i32, i32) {
    %c0_i32 = arith.constant 0 : i32
    %c0_i32_0 = arith.constant 0 : i32
    %c0_i32_1 = arith.constant 0 : i32
    return %arg0, %c0_i32, %c0_i32_0 : i32, i32, i32
  }
  func.func @transform_2(%arg0: i32, %arg1: i32) -> (i32, i32, i32) {
    %c0_i32 = arith.constant 0 : i32
    %c0_i32_0 = arith.constant 0 : i32
    return %arg0, %c0_i32, %arg1 : i32, i32, i32
  }
  func.func @transform_3(%arg0: i32, %arg1: i32) -> (i32, i32) {
    %c0_i32 = arith.constant 0 : i32
    %c0_i32_0 = arith.constant 0 : i32
    %c0_i32_1 = arith.constant 0 : i32
    return %c0_i32, %c0_i32_0 : i32, i32
  }
}

</mosaic_0001>

<sc_bundles>
// kernel: kernel.4.cloned.1.call-start
scs
__scs_entry_jumppad:
0x0: {  	(pc) =	sbr.rel $0x88, $3  }
0x1: {  	(tag) =	ssettag $0x0;
	lr =	simm.s32 $0x1  }
0x2: {  	[smem:$0x3F9F] =	sst lr;
	_ =	strace $0xD0000000  }
0x3: {  	_ = 	snop  }
0x4: {  	_ = 	snop  }
0x5: {  	_ = 	snop  }
0x6: {  	_ = 	snop  }
0x7: {  	_ = 	snop  }
__scs_overlays_trampoline_lowered:
0x8: {  	[smem:$0x3FAE] =	sst s0  }
0x9: {  	[smem:$0x3FAF] =	sst s1  }
0xa: {  	[smem:$0x3FB0] =	sst s2  }
0xb: {  	[smem:$0x3FB1] =	sst s3  }
0xc: {  	[smem:$0x3FB2] =	sst s4  }
0xd: {  	[smem:$0x3FB3] =	sst s5  }
0xe: {  	[smem:$0x3FB4] =	sst s6  }
0xf: {  	[smem:$0x3FB5] =	sst s7  }
0x10: {  	[smem:$0x3FB6] =	sst s8  }
0x11: {  	[smem:$0x3FB7] =	sst s9;
	s0 =	simm.s32 @!p0 $0x0  }
0x12: {  	s1 =	sld [smem:$0x3F9D];
	s0 =	simm.s32 @p0 $0x1  }
0x13: {  	[smem:$0x3FB8] =	sst s0;
	s0 =	simm.s32 @!p1 $0x0  }
0x14: {  	s2 =	sld [smem:$0x3F9C];
	s0 =	simm.s32 @p1 $0x1  }
0x15: {  	[smem:$0x3FB9] =	sst s0;
	s0 =	simm.s32 @!p2 $0x0  }
0x16: {  	s3 =	sld [smem:$0x3FDB];
	s0 =	simm.s32 @p2 $0x1  }
0x17: {  	s4 =	simm.s32 $0x1BF5;
	[smem:$0x3FBB] =	sst s0  }
0x18: {  	s0 =	sld [smem:$0x3F9E];
	_ =	swait.ge [sflag:s4], $0x0  }
0x19: {  	s7 =	sld [smem:$0x3F9F]  }
0x1a: {  	s8 =	sadd.s32 $0xFFFFE003, lr  }
0x1b: {  	s9 =	sadd.s32 $0xFFFFFEF7, lr;
	s5 =	simm.s32 $0xFFFFFFFF;
	p2 =	slt.u32 s8, $0xFFFFF086  }
0x1c: {  	p1 =	slt.u32 s9, $0xF7A;
	s5 =	simm.s32 @!p2 $0x0  }
0x1d: {  	s5 =	simm.s32 @p1 $0x1;
	p0 =	seq.s32 s7, s2  }
0x1e: {  	s7 =	smul.u32 @!p0 $0xF7A, s2;
	p2 =	seq.s32 @!p0 s5, $0x0  }
0x1f: {  	s9 =	smul.u32 $0xF7A, s1;
	s8 =	simm.s32 @!p0 $0x1BF5;
	p2 =	por !p2, p0  }
0x20: {  	[sflag:s8] =	ssyncset.s32 @!p0 $0xFFFFF086;
	s6 =	sadd.s32 @!p0 s3, s7;
	s7 =	simm.s32 @!p0 $0x108  }
0x21: {  	s3 =	sadd.s32 s3, s9;
	s6 =	sadd.s32 @!p0 $0x88, s6;
	s7 =	simm.s32 @p2 $0x1082  }
0x22: {  	[simem:s7], [sflag:s8] =	dma.local @!p0 [hbm:s6], $0xF7A  }
0x23: {  	s9 =	sor.u32 $0xD0000000, s2;
	s6 =	simm.s32 $0x108;
	_ =	swait.ge @!p0 [sflag:s8], $0x0  }
0x24: {  	s3 =	sadd.s32 $0x88, s3;
	s6 =	simm.s32 @!p1 $0x1082;
	[sflag:s4] =	ssyncset.s32 $0xFFFFF086  }
0x25: {  	[simem:s6], [sflag:s4] =	dma.local [hbm:s3], $0xF7A  }
0x26: {  	[smem:$0x3F9F] =	sst s1;
	(tag) =	ssettag s2;
	_ =	strace s9  }
0x27: {  	s1 =	sld [smem:$0x3FAF]  }
0x28: {  	s2 =	sld [smem:$0x3FB0]  }
0x29: {  	s4 =	sld [smem:$0x3FB2]  }
0x2a: {  	p0 =	seq.s32 s5, $0x0;
	s5 =	sld [smem:$0x3FB3]  }
0x2b: {  	s6 =	sld [smem:$0x3FB4]  }
0x2c: {  	s7 =	sld [smem:$0x3FB5]  }
0x2d: {  	s3 =	simm.s32 $0x108;
	s8 =	sld [smem:$0x3FB6]  }
0x2e: {  	s3 =	simm.s32 @!p0 $0x1082;
	s9 =	sld [smem:$0x3FB7]  }
0x2f: {  	lr =	sadd.s32 s0, s3;
	s0 =	sld [smem:$0x3FAE]  }
0x30: {  	s3 =	sld [smem:$0x3FB1]  }
0x31: {  	[smem:$0x3FBA] =	sst s10  }
0x32: {  	s10 =	sld [smem:$0x3FB8];
	_ =	sdelay $0x3  }
0x33: {  	p0 =	seq.s32 s10, $0x1;
	s10 =	sld [smem:$0x3FBA];
	_ =	sdelay $0x3  }
0x34: {  	[smem:$0x3FBA] =	sst s10  }
0x35: {  	s10 =	sld [smem:$0x3FB9];
	_ =	sdelay $0x3  }
0x36: {  	p1 =	seq.s32 s10, $0x1;
	s10 =	sld [smem:$0x3FBA];
	_ =	sdelay $0x3  }
0x37: {  	[smem:$0x3FBA] =	sst s10  }
0x38: {  	s10 =	sld [smem:$0x3FBB]  }
0x39: {  	_ = 	snop;
	(pc) =	sbr.ind lr, $3  }
0x3a: {  	_ = 	snop  }
0x3b: {  	_ = 	snop  }
0x3c: {  	p2 =	seq.s32 s10, $0x1;
	s10 =	sld [smem:$0x3FBA]  }
0x3d: {  	_ =	shalt  }
0x3e: {  	_ =	shalt  }
0x3f: {  	_ =	shalt  }
0x40: {  	_ =	shalt  }
0x41: {  	_ =	shalt  }
0x42: {  	_ =	shalt  }
0x43: {  	_ =	shalt  }
0x44: {  	_ =	shalt  }
0x45: {  	_ =	shalt  }
0x46: {  	_ =	shalt  }
0x47: {  	_ =	shalt  }
0x48: {  	_ =	shalt  }
0x49: {  	_ =	shalt  }
0x4a: {  	_ =	shalt  }
0x4b: {  	_ =	shalt  }
0x4c: {  	_ =	shalt  }
0x4d: {  	_ =	shalt  }
0x4e: {  	_ =	shalt  }
0x4f: {  	_ =	shalt  }
0x50: {  	_ =	shalt  }
0x51: {  	_ =	shalt  }
0x52: {  	_ =	shalt  }
0x53: {  	_ =	shalt  }
0x54: {  	_ =	shalt  }
0x55: {  	_ =	shalt  }
0x56: {  	_ =	shalt  }
0x57: {  	_ =	shalt  }
0x58: {  	_ =	shalt  }
0x59: {  	_ =	shalt  }
0x5a: {  	_ =	shalt  }
0x5b: {  	_ =	shalt  }
0x5c: {  	_ =	shalt  }
0x5d: {  	_ =	shalt  }
0x5e: {  	_ =	shalt  }
0x5f: {  	_ =	shalt  }
0x60: {  	_ =	shalt  }
0x61: {  	_ =	shalt  }
0x62: {  	_ =	shalt  }
0x63: {  	_ =	shalt  }
0x64: {  	_ =	shalt  }
0x65: {  	_ =	shalt  }
0x66: {  	_ =	shalt  }
0x67: {  	_ =	shalt  }
0x68: {  	_ =	shalt  }
0x69: {  	_ =	shalt  }
0x6a: {  	_ =	shalt  }
0x6b: {  	_ =	shalt  }
0x6c: {  	_ =	shalt  }
0x6d: {  	_ =	shalt  }
0x6e: {  	_ =	shalt  }
0x6f: {  	_ =	shalt  }
0x70: {  	_ =	shalt  }
0x71: {  	_ =	shalt  }
0x72: {  	_ =	shalt  }
0x73: {  	_ =	shalt  }
0x74: {  	_ =	shalt  }
0x75: {  	_ =	shalt  }
0x76: {  	_ =	shalt  }
0x77: {  	_ =	shalt  }
0x78: {  	_ =	shalt  }
0x79: {  	_ =	shalt  }
0x7a: {  	_ =	shalt  }
0x7b: {  	_ =	shalt  }
0x7c: {  	_ =	shalt  }
0x7d: {  	_ =	shalt  }
0x7e: {  	_ =	shalt  }
0x7f: {  	_ =	shalt  }
0x80: {  	_ =	shalt  }
0x81: {  	_ =	shalt  }
0x82: {  	_ =	shalt  }
0x83: {  	_ =	shalt  }
0x84: {  	_ =	shalt  }
0x85: {  	_ =	shalt  }
0x86: {  	_ =	shalt  }
0x87: {  	_ =	shalt  }
.Lfunc_end0:
.L_simem_size_0:
called_computation.2_lowered:
.L_overlay_start_0:
0x88: {  	s2 =	sld [smem:$0x3FD9]  }
0x89: {  	s3 =	sld [smem:$0x3FFE];
	_ =	sdelay $0x1  }
0x8a: {  	s1 =	srdreg.scid  }
0x8b: {  	s0 =	sand.u32 $0x1, s1  }
0x8c: {  	s14 =	sshll.u32 s0, $0xA;
	s2 =	sadd.s32 s3, s2  }
0x8d: {  	s2 =	sadd.s32 s2, s14  }
0x8e: {  	[smem:$0x3FC6] =	sst s2  }
0x8f: {  	_ = 	snop  }
0x90: {  	s2 =	sld [smem:$0x3FD0];
	_ =	sdelay $0x2  }
0x91: {  	s4 =	simm.s32 $0xA;
	s5 =	simm.s32 $0x10;
	s15 =	sld [smem:$0x3FC8]  }
0x92: {  	[smem:s5], [sflag:s4] =	dma.local [hbm:s2], $0x1  }
0x93: {  	_ =	swait.eq [sflag:s4], $0x1  }
0x94: {  	[sflag:s4] =	ssyncset.done $0x0  }
0x95: {  	[sflag:s4] =	ssyncadd.s32 $0xFFFFFFFF  }
0x96: {  	s16 =	sld [smem:$0x10];
	(tm) =	ssettm $0x1  }
0x97: {  	s17 =	sld [smem:$0x3FFB];
	_ =	sdelay $0x3  }
0x98: {  	_ =	strace s17  }
0x99: {  	s4 =	sld [smem:$0x3FFC];
	_ =	sdelay $0x3  }
0x9a: {  	_ =	strace s4  }
0x9b: {  	s4 =	sld [smem:$0x3FFD];
	_ =	sdelay $0x3  }
0x9c: {  	_ =	strace s4  }
0x9d: {  	_ =	strace $0x8FFFFFFF  }
0x9e: {  	s18 =	sld [smem:$0x3FDB];
	_ =	sdelay $0x1  }
0x9f: {  	s19 =	simm.s32 $_scs_section_size  }
0xa0: {  	s6 =	simm.s32 $_size__tile_overlayer_lowered;
	s7 =	simm.s32 $_tile_overlayer_lowered  }
0xa1: {  	s22 =	simm.s32 $0x1BFF;
	s21 =	sshll.u32 s7, $0x1;
	s4 =	sadd.s32 s19, s18  }
0xa2: {  	s8 =	simm.s32 $0x0;
	s20 =	sshll.u32 s6, $0x1;
	s6 =	sadd.s32 s21, s4  }
0xa3: {  	[timem:s8], [sflag:s22] =	dma.local [hbm:s6], s20  }
0xa4: {  	_ =	swait.ge [sflag:s22], s20  }
0xa5: {  	s5 =	ssub.s32 $0x0, s20;
	[sflag:s22] =	ssyncset.done $0x0  }
0xa6: {  	[sflag:s22] =	ssyncadd.s32 s5;
	_ =	sdelay $0x1  }
0xa7: {  	s23 =	simm.s32 $0x1B8B  }
0xa8: {  	_ =	swait.ge [sflag:s23], $0x1  }
0xa9: {  	[sflag:s23] =	ssyncset.done $0x0  }
0xaa: {  	s25 =	simm.s32 $0x1B8E;
	s24 =	sld [smem:$0x3FFE];
	[sflag:s23] =	ssyncadd.s32 $0xFFFFFFFF  }
0xab: {  	s26 =	simm.s32 $execute0_lowered;
	[smem:$0x3FD2] =	sst s25  }
0xac: {  	s6 =	sshll.u32 s26, $0x1;
	_ =	strace $0x8000004C;
	[dreg:$0x1] =	wrdreg $0xFFFFFFFF  }
0xad: {  	s28 =	simm.s32 $_size_execute0_lowered;
	s4 =	sadd.s32 s4, s6;
	[dreg:$0x0] =	wrdreg $0x0  }
0xae: {  	s6 =	sshll.u32 s28, $0x1;
	[dreg:$0x2] =	wrdreg s4  }
0xaf: {  	[dreg:$0x3] =	wrdreg s6  }
0xb0: {  	[dreg:$0x4] =	wrdreg $0xC0  }
0xb1: {  	_ =	task [dreg:s8], $0x5FFFF  }
0xb2: {  	[dreg:$0x1] =	wrdreg $0xFFFFFFFF  }
0xb3: {  	[dreg:$0x0] =	wrdreg $0x60  }
0xb4: {  	[dreg:$0x2] =	wrdreg s15  }
0xb5: {  	[dreg:$0x3] =	wrdreg s16  }
0xb6: {  	[dreg:$0x4] =	wrdreg s24  }
0xb7: {  	[dreg:$0x5] =	wrdreg $0x9  }
0xb8: {  	_ =	task.clear_ibuf [dreg:s8], $0x6FFFF;
	_ =	strace $0x9000004C  }
0xb9: {  	s29 =	simm.s32 $0x9;
	_ =	strace $0x8000004E  }
0xba: {  	_ =	swait.ge [sflag:s29], $0x1  }
0xbb: {  	[sflag:s29] =	ssyncadd.s32 $0xFFFFFFFF  }
0xbc: {  	_ =	strace $0x9000004E  }
0xbd: {  	_ =	sfence  }
0xbe: {  	s30 =	sld [smem:$0x0];
	_ =	sdelay $0x2  }
0xbf: {  	s31 =	sshll.u32 s1, $0xD;
	s1 =	sshrl.u32 s1, $0x2  }
0xc0: {  	s3 =	sand.u32 $0x4000, s31;
	s1 =	sadd.s32 s1, s30  }
0xc1: {  	s0 =	sor.u32 s3, s0;
	s1 =	sshll.u32 s1, $0x11  }
0xc2: {  	s0 =	sor.u32 s1, s0  }
0xc3: {  	s0 =	sadd.s32 $0x8F2B, s0  }
0xc4: {  	[sflag:s0] =	ssyncadd.remote.s32 $0x1  }
0xc5: {  	_ =	sfence.sel $0xFFFF  }
0xc6: {  	[dreg:$0x0] =	wrdreg $0xFFFFFFFF;
	(pc) =	sbr.abs _section_cstart, $3  }
0xc7: {  	[dreg:$0x1] =	wrdreg $0xFFFFFFFF  }
0xc8: {  	_ =	task.clear_ibuf [dreg:s8], $0x2FFFF;
	_ =	strace $0x9FFFFFFF  }
0xc9: {  	(tm) =	ssettm $0x7FFFFFFF  }
tec
execute0_lowered:
.L_overlay_start_1:
0x0: {  	(tag) =	ssettag $0x1  }
0x1: {  	s1 =	rddreg [dreg:$0x0]  }
0x2: {  	s6 =	rddreg [dreg:$0x1]  }
0x3: {  	s4 =	rddreg [dreg:$0x2]  }
0x4: {  	s0 =	rddreg [dreg:$0x3]  }
0x5: {  	s3 =	simm.s32 $0x0;
	s2 =	stileid.u32;
	s5 =	srdreg.scid  }
0x6: {  	[smem:$0x7FF] =	sst s3;
	s7 =	sshll.u32 s2, $0x11;
	s5 =	sand.u32 $0x1, s5  }
0x7: {  	s9 =	sshll.u32 s2, $0xD;
	_ =	strace $0x8000004D;
	s7 =	sadd.s32 s7, s4  }
0x8: {  	s29 =	ssub.s32 $0x2, s5;
	s10 =	sshll.u32 s5, $0xC;
	s5 =	sshll.u32 s5, $0x10  }
0x9: {  	s8 =	sshrl.u32 s29, $0x1;
	s30 =	sor.u32 s10, s9;
	s5 =	sadd.s32 s5, s7  }
0xa: {  	s7 =	simm.s32 $0x2;
	s9 =	simm.s32 $0x1;
	s10 =	simm.s32 $0x0  }
0xb: {  	s4 =	ssub.s32 s29, s8;
	s31 =	sshrl.u32 s30, $0x3;
	s5 =	sadd.s32 $0xC00, s5  }
0xc: {  	s8 =	simm.s32 $0x80;
	s4 =	smax.u32 s4, $0x1;
	s6 =	sadd.s32 s31, s6  }
.LBB2_1:
0xd: {  	s11 =	sadd.s32 $0x0, s6  }
0xe: {  	[tilespmem:s3], [sflag:$0x2] =	stream.linear.gather [hbm4b:s11+s3], $0x80, $0x38;
	[tilespmem:$0x4080] =	vst v63  }
0xf: {  	_ =	swait.ge [sflag:s7], $0x80  }
0x10: {  	[sflag:s7] =	ssyncset.done $0x0  }
0x11: {  	[sflag:s7] =	ssyncadd.s32 $0xFFFFFF80  }
0x12: {  	[tilespmem:s8], [sflag:$0x1] =	stream.indirect.gather [hbm4b:s1+s8], $0x80, s3, s8, $0xb8;
	[tilespmem:$0x4080] =	vst v63  }
0x13: {  	_ =	swait.ge [sflag:s9], $0x4000  }
0x14: {  	[sflag:s9] =	ssyncset.done $0x0  }
0x15: {  	[sflag:s9] =	ssyncadd.s32 $0xFFFFC000  }
0x16: {  	[hbm4b:s5+s3] =	stream.linear.scatter [tilespmem:s8], [sflag:$0x2], $0x4000, $0x38;
	[tilespmem:$0x4080] =	vst v63  }
0x17: {  	s12 =	simm.s32 $0x10;
	_ =	swait.ge [sflag:s7], $0x4000  }
0x18: {  	s13 =	simm.s32 $0x20;
	s11 =	sadd.s32 $0x800, s5;
	[sflag:s7] =	ssyncset.done $0x0  }
.LBB2_2:
0x19: {  	s14 =	sadd.s32 s12, s6  }
0x1a: {  	[sflag:s7] =	ssyncadd.s32 $0xFFFFC000;
	s12 =	smov.u32 s13;
	s15 =	sadd.s32 $0x10, s13  }
0x1b: {  	[tilespmem:s3], [sflag:$0x2] =	stream.linear.gather [hbm4b:s14+s3], $0x80, $0x38;
	[tilespmem:$0x4080] =	vst v63  }
0x1c: {  	p0 =	sne.s32 s13, $0x1F0;
	_ =	swait.ge [sflag:s7], $0x80  }
0x1d: {  	[sflag:s7] =	ssyncset.done $0x0  }
0x1e: {  	[sflag:s7] =	ssyncadd.s32 $0xFFFFFF80  }
0x1f: {  	[tilespmem:s8], [sflag:$0x1] =	stream.indirect.gather [hbm4b:s1+s8], $0x80, s3, s8, $0xb8;
	[tilespmem:$0x4080] =	vst v63  }
0x20: {  	_ =	swait.ge [sflag:s9], $0x4000  }
.Ltmp0:
0x21: {  	[sflag:s9] =	ssyncset.done $0x0;
	(pc) =	sbr.rel @p0 .LBB2_2-.Ltmp0, $4  }
0x22: {  	[sflag:s9] =	ssyncadd.s32 $0xFFFFC000  }
0x23: {  	[hbm4b:s11+s3] =	stream.linear.scatter [tilespmem:s8], [sflag:$0x2], $0x4000, $0x38;
	[tilespmem:$0x4080] =	vst v63  }
0x24: {  	_ =	swait.ge [sflag:s7], $0x4000  }
0x25: {  	s13 =	smov.u32 s15;
	s11 =	sadd.s32 $0x800, s11;
	[sflag:s7] =	ssyncset.done $0x0  }
0x26: {  	s12 =	sadd.s32 s12, s6;
	[sflag:s7] =	ssyncadd.s32 $0xFFFFC000  }
0x27: {  	[tilespmem:s3], [sflag:$0x2] =	stream.linear.gather [hbm4b:s12+s3], $0x80, $0x38;
	[tilespmem:$0x4080] =	vst v63  }
0x28: {  	_ =	swait.ge [sflag:s7], $0x80  }
0x29: {  	[sflag:s7] =	ssyncset.done $0x0  }
0x2a: {  	[sflag:s7] =	ssyncadd.s32 $0xFFFFFF80  }
0x2b: {  	[tilespmem:s8], [sflag:$0x1] =	stream.indirect.gather [hbm4b:s1+s8], $0x80, s3, s8, $0xb8;
	[tilespmem:$0x4080] =	vst v63  }
0x2c: {  	s10 =	sadd.s32 $0x1, s10;
	_ =	swait.ge [sflag:s9], $0x4000  }
0x2d: {  	p0 =	sne.s32 s10, s4;
	[sflag:s9] =	ssyncset.done $0x0  }
.Ltmp1:
0x2e: {  	[sflag:s9] =	ssyncadd.s32 $0xFFFFC000;
	(pc) =	sbr.rel @p0 .LBB2_1-.Ltmp1, $4  }
0x2f: {  	[hbm4b:s11+s3] =	stream.linear.scatter [tilespmem:s8], [sflag:$0x2], $0x4000, $0x38;
	[tilespmem:$0x4080] =	vst v63  }
0x30: {  	_ =	swait.ge [sflag:s7], $0x4000  }
0x31: {  	[sflag:s7] =	ssyncset.done $0x0  }
0x32: {  	[sflag:s7] =	ssyncadd.s32 $0xFFFFC000  }
0x33: {  	_ =	sfence.sel $0x180000  }
0x34: {  	[bflag:$0x0] =	sbarrier.arrive $0xFFFF  }
0x35: {  	p0 =	sne.s32 s2, $0x0;
	_ =	strace $0x9000004D  }
0x36: {  	s0 =	sadd.s32 @!p0 $0x100000, s0;
	[bflag:$0x2] =	sbarrier.arrive $0xFFFF  }
0x37: {  	[sflag:s0] =	ssyncadd.tile.s32 @!p0 $0x1;
	_ =	shalt  }
.Lfunc_end2:
_tile_overlayer_lowered:
.L_overlay_start_2:
0x38: {  	(tag) =	ssettag $0x2  }
0x39: {  	s0 =	rddreg [dreg:$0x0];
	s2 =	stileid.u32  }
0x3a: {  	s1 =	rddreg [dreg:$0x1];
	p0 =	sne.s32 s2, $0x0  }
0x3b: {  	s3 =	rddreg [dreg:$0x2];
	[bflag:$0x3] =	sbarrier.arrive $0xFFFF;
	s2 =	simm.s32 @!p0 $0x1C02  }
0x3c: {  	[timem:s3], [sflag:s2] =	dma.local @!p0 [hbm:s0], s1  }
0x3d: {  	s0 =	simm.s32 @!p0 $0x2  }
0x3e: {  	_ =	swait.ge @!p0 [sflag:s0], s1  }
0x3f: {  	s1 =	ssub.s32 @!p0 $0x0, s1;
	[sflag:s0] =	ssyncset.done @!p0 $0x0  }
0x40: {  	[sflag:s0] =	ssyncadd.s32 @!p0 s1  }
0x41: {  	[bflag:$0x3] =	sbarrier.arrive $0xFFFF  }
0x42: {  	_ =	shalt  }

// kernel: sparse-core-data-format-call.1.cloned.1.call-start
scs
called_computation.1_lowered:
.L_overlay_start_0:
0x0: {  	s2 =	sld [smem:$0x3FD9]  }
0x1: {  	s3 =	sld [smem:$0x3FFE];
	_ =	sdelay $0x1  }
0x2: {  	s1 =	srdreg.scid  }
0x3: {  	s0 =	sand.u32 $0x1, s1  }
0x4: {  	s18 =	sshll.u32 s0, $0xA;
	s2 =	sadd.s32 s3, s2  }
0x5: {  	s2 =	sadd.s32 s2, s18  }
0x6: {  	[smem:$0x3FC6] =	sst s2  }
0x7: {  	_ = 	snop  }
0x8: {  	s2 =	sld [smem:$0x3FC9];
	(tm) =	ssettm $0x1  }
0x9: {  	s19 =	sld [smem:$0x3FFB];
	_ =	sdelay $0x3  }
0xa: {  	_ =	strace s19  }
0xb: {  	s3 =	sld [smem:$0x3FFC];
	_ =	sdelay $0x3  }
0xc: {  	_ =	strace s3  }
0xd: {  	s3 =	sld [smem:$0x3FFD];
	_ =	sdelay $0x3  }
0xe: {  	_ =	strace s3  }
0xf: {  	_ =	strace $0x8FFFFFFF  }
0x10: {  	s20 =	sld [smem:$0x3FDB];
	_ =	sdelay $0x1  }
0x11: {  	s4 =	simm.s32 $_scs_section_size  }
0x12: {  	s5 =	simm.s32 $_size__tile_overlayer_lowered;
	s6 =	simm.s32 $_tile_overlayer_lowered  }
0x13: {  	s23 =	simm.s32 $0x1BFF;
	s22 =	sshll.u32 s6, $0x1;
	s3 =	sadd.s32 s4, s20  }
0x14: {  	s7 =	simm.s32 $0x0;
	s21 =	sshll.u32 s5, $0x1;
	s5 =	sadd.s32 s22, s3  }
0x15: {  	[timem:s7], [sflag:s23] =	dma.local [hbm:s5], s21  }
0x16: {  	_ =	swait.ge [sflag:s23], s21  }
0x17: {  	s4 =	ssub.s32 $0x0, s21;
	[sflag:s23] =	ssyncset.done $0x0  }
0x18: {  	[sflag:s23] =	ssyncadd.s32 s4;
	_ =	sdelay $0x1  }
0x19: {  	s24 =	simm.s32 $0x1B8B  }
0x1a: {  	_ =	swait.ge [sflag:s24], $0x1  }
0x1b: {  	[sflag:s24] =	ssyncset.done $0x0  }
0x1c: {  	s26 =	simm.s32 $0x1B8E;
	s25 =	sld [smem:$0x3FFE];
	[sflag:s24] =	ssyncadd.s32 $0xFFFFFFFF  }
0x1d: {  	s27 =	simm.s32 $execute0_lowered;
	[smem:$0x3FD2] =	sst s26  }
0x1e: {  	s5 =	sshll.u32 s27, $0x1;
	_ =	strace $0x80000046;
	[dreg:$0x1] =	wrdreg $0xFFFFFFFF  }
0x1f: {  	s28 =	simm.s32 $_size_execute0_lowered;
	s3 =	sadd.s32 s3, s5;
	[dreg:$0x0] =	wrdreg $0x0  }
0x20: {  	s5 =	sshll.u32 s28, $0x1;
	[dreg:$0x2] =	wrdreg s3  }
0x21: {  	[dreg:$0x3] =	wrdreg s5  }
0x22: {  	[dreg:$0x4] =	wrdreg $0xC0  }
0x23: {  	_ =	task [dreg:s7], $0x5FFFF  }
0x24: {  	[dreg:$0x1] =	wrdreg $0xFFFFFFFF  }
0x25: {  	[dreg:$0x0] =	wrdreg $0x60  }
0x26: {  	[dreg:$0x2] =	wrdreg s2  }
0x27: {  	[dreg:$0x3] =	wrdreg s25  }
0x28: {  	[dreg:$0x4] =	wrdreg $0x9  }
0x29: {  	_ =	task.clear_ibuf [dreg:s7], $0x5FFFF;
	_ =	strace $0x90000046  }
0x2a: {  	s29 =	simm.s32 $0x9;
	_ =	strace $0x80000048  }
0x2b: {  	_ =	swait.ge [sflag:s29], $0x1  }
0x2c: {  	[sflag:s29] =	ssyncadd.s32 $0xFFFFFFFF  }
0x2d: {  	_ =	strace $0x90000048  }
0x2e: {  	_ =	sfence  }
0x2f: {  	s30 =	sld [smem:$0x0];
	_ =	sdelay $0x2  }
0x30: {  	s31 =	sshll.u32 s1, $0xD;
	s1 =	sshrl.u32 s1, $0x2  }
0x31: {  	s3 =	sand.u32 $0x4000, s31;
	s1 =	sadd.s32 s1, s30  }
0x32: {  	s0 =	sor.u32 s3, s0;
	s1 =	sshll.u32 s1, $0x11  }
0x33: {  	s0 =	sor.u32 s1, s0  }
0x34: {  	s0 =	sadd.s32 $0x8F2B, s0  }
0x35: {  	[sflag:s0] =	ssyncadd.remote.s32 $0x1  }
0x36: {  	_ =	sfence.sel $0xFFFF  }
0x37: {  	[dreg:$0x0] =	wrdreg $0xFFFFFFFF;
	(pc) =	sbr.abs _section_cstart, $3  }
0x38: {  	[dreg:$0x1] =	wrdreg $0xFFFFFFFF  }
0x39: {  	_ =	task.clear_ibuf [dreg:s7], $0x2FFFF;
	_ =	strace $0x9FFFFFFF  }
0x3a: {  	(tm) =	ssettm $0x7FFFFFFF  }
0x3b: {  	_ =	shalt  }
tec
execute0_lowered:
.L_overlay_start_1:
0x0: {  	(tag) =	ssettag $0x1  }
0x1: {  	s0 =	srdreg.scid  }
0x2: {  	s1 =	sshll.u32 s0, $0x4  }
0x3: {  	s2 =	rddreg [dreg:$0x0];
	s0 =	stileid.u32;
	s1 =	sand.u32 $0x10, s1  }
0x4: {  	s4 =	rddreg [dreg:$0x1];
	s7 =	simm.s32 $0x1;
	s1 =	sor.u32 s0, s1  }
0x5: {  	s8 =	simm.s32 $0x2;
	s9 =	simm.s32 $0x0;
	s3 =	sshll.u32 s1, $0x1  }
0x6: {  	s12 =	simm.s32 $0x0;
	s11 =	simm.s32 $0x0;
	s6 =	ssub.s32 $0x800, s3  }
.Ltmp0:
0x7: {  	s4 =	sadd.s32 $0xC00, s4;
	s5 =	sand.u32 $0x3E, s6;
	(pc) =	sbr.rel .LBB1_1-.Ltmp0, $4  }
0x8: {  	s1 =	rddreg [dreg:$0x2];
	_ =	strace $0x80000047;
	p0 =	sne.s32 s5, $0x0  }
0x9: {  	s6 =	sshrl.u32 s6, $0x6;
	s5 =	simm.s32 $0x1;
	s7 =	simm.s32 @!p0 $0x0  }
0xa: {  	s10 =	smov.u32 s3;
	[sflag:s5] =	ssyncpa.u1 $0x0;
	s6 =	sadd.s32 s7, s6  }
0xb: {  	[sflag:s8] =	ssyncpa.u1 $0x0;
	s8 =	simm.s32 $0x0;
	s7 =	sadd.s32 $0x1, s6  }
.LBB1_9:
0xc: {  	s14 =	sadd.s32 $0x40, s10  }
0xd: {  	p1 =	sgt.s32 s14, $0x7FF  }
0xe: {  	s14 =	smov.u32 @p1 s3;
	p1 =	sne.s32 s11, s7  }
.Ltmp1:
0xf: {  	p0 =	slt.u32 s11, $0x2;
	(pc) =	sbr.rel @!p1 .LBB1_10-.Ltmp1, $4  }
0x10: {  	s13 =	simm.s32 @!p0 $0x2  }
0x11: {  	s15 =	sadd.s32 $0x1, s11;
	_ =	swait.ge @!p0 [sflag:s13], $0x4000  }
0x12: {  	s12 =	smov.u32 s10;
	s9 =	sadd.s32 $0x4000, s9;
	[sflag:s13] =	ssyncset.done @!p0 $0x0  }
0x13: {  	s11 =	smov.u32 s15;
	s10 =	smov.u32 s14;
	[sflag:s13] =	ssyncadd.s32 @!p0 $0xFFFFC000  }
.LBB1_1:
0x14: {  	p0 =	sge.u32 s11, s6  }
0x15: {  	s13 =	sxor.u32 @!p0 $0xFFFFFFFF, s11  }
0x16: {  	s31 =	sadd.s32 $0xFFFFFFFF, s11;
	s14 =	sshll.u32 @!p0 s10, $0xA;
	s13 =	sshll.u32 @!p0 s13, $0xE  }
0x17: {  	s15 =	simm.s32 @!p0 $0x0;
	s14 =	sadd.s32 @!p0 s2, s14;
	s13 =	sand.u32 @!p0 $0x4000, s13  }
0x18: {  	[tilespmem:s13], [sflag:$0x1] =	stream.linear.gather @!p0 [hbm4b:s14+s15], $0x4000, $0x38;
	[tilespmem:$0x10000] =	vst v63  }
0x19: {  	p0 =	sge.u32 s31, s6  }
.Ltmp2:
0x1a: {  	_ = 	snop;
	(pc) =	sbr.rel @p0 .LBB1_9-.Ltmp2, $1  }
0x1b: {  	_ =	sdelay $0x3  }
0x1c: {  	s13 =	sshll.u32 s9, $0x2  }
0x1d: {  	_ =	swait.ge [sflag:s5], $0x4000;
	s14 =	sshll.u32 s11, $0xE;
	s16 =	simm.s32 $0x0  }
0x1e: {  	p1 =	por $0x1, $0x1;
	s13 =	sand.u32 $0x10000, s13;
	[sflag:s5] =	ssyncset.done $0x0  }
0x1f: {  	s14 =	sand.u32 $0x4000, s14;
	s15 =	sshrl.u32 s13, $0x2;
	[sflag:s5] =	ssyncadd.s32 $0xFFFFC000  }
0x20: {  	s13 =	sor.u32 $0x8000, s14;
	s14 =	sadd.s32 $0x8040, s15;
	s15 =	sadd.s32 $0x40, s15  }
.LBB1_3:
0x21: {  	s16 =	sshll.u32 s16, $0x2  }
0x22: {  	p0 =	por p1, p1;
	s17 =	sshra.s32 s16, $0x2  }
0x23: {  	s18 =	simm.s32 $0x0;
	s16 =	sadd.s32 s17, s14;
	s17 =	sadd.s32 s17, s15  }
.LBB1_4:
0x24: {  	v0 =	vmov s17;
	_ =	sdelay $0x3  }
0x25: {  	s20 =	simm.s32 $0x0  }
0x26: {  	v6 =	vld.idx.msk [tilespmem:v0+s20+$0x30 ss:$0x1], $0xffff  }
0x27: {  	v7 =	vld.idx.msk [tilespmem:v0+s20+$0xFFFFFFC0 ss:$0x1], $0xffff  }
0x28: {  	v5 =	vld.idx.msk [tilespmem:v0+s20+$0xFFFFFFD0 ss:$0x1], $0xffff  }
0x29: {  	v4 =	vld.idx.msk [tilespmem:v0+s20+$0xFFFFFFE0 ss:$0x1], $0xffff  }
0x2a: {  	v3 =	vld.idx.msk [tilespmem:v0+s20+$0xFFFFFFF0 ss:$0x1], $0xffff  }
0x2b: {  	v1 =	vld.idx.msk [tilespmem:v0+s20+$0x0 ss:$0x1], $0xffff  }
0x2c: {  	v2 =	vld.idx.msk [tilespmem:v0+s20+$0x10 ss:$0x1], $0xffff;
	[tilespmem:s16+$0x30] =	vst v6  }
0x2d: {  	s19 =	simm.s32 $0x80;
	s21 =	simm.s32 $0x400;
	[tilespmem:s16+$0xFFFFFFC0] =	vst v7;
	v6 =	vld.idx.msk [tilespmem:v0+s20+$0x20 ss:$0x1], $0xffff;
	s20 =	smov.u32 s16  }
.LBB1_5:
0x2e: {  	p1 =	sne.s32 s21, $0xE00;
	v7 =	vld.idx.msk [tilespmem:v0+s19+$0x30 ss:$0x1], $0xffff;
	[tilespmem:s20+$0xFFFFFFD0] =	vst v5  }
0x2f: {  	v8 =	vld.idx.msk [tilespmem:v0+s19+$0xFFFFFFC0 ss:$0x1], $0xffff;
	[tilespmem:s20+$0xFFFFFFE0] =	vst v4  }
0x30: {  	v5 =	vld.idx.msk [tilespmem:v0+s19+$0xFFFFFFD0 ss:$0x1], $0xffff;
	[tilespmem:s20+$0xFFFFFFF0] =	vst v3  }
.Ltmp3:
0x31: {  	v4 =	vld.idx.msk [tilespmem:v0+s19+$0xFFFFFFE0 ss:$0x1], $0xffff;
	[tilespmem:s20+$0x0] =	vst v1;
	(pc) =	sbr.rel @p1 .LBB1_5-.Ltmp3, $4  }
0x32: {  	v3 =	vld.idx.msk [tilespmem:v0+s19+$0xFFFFFFF0 ss:$0x1], $0xffff;
	[tilespmem:s20+$0x10] =	vst v2  }
0x33: {  	v1 =	vld.idx.msk [tilespmem:v0+s19+$0x0 ss:$0x1], $0xffff;
	[tilespmem:s20+$0x20] =	vst v6;
	s20 =	sadd.s32 $0x400, s20  }
0x34: {  	v2 =	vld.idx.msk [tilespmem:v0+s19+$0x10 ss:$0x1], $0xffff;
	[tilespmem:s20+$0x30] =	vst v7  }
0x35: {  	[tilespmem:s20+$0xFFFFFFC0] =	vst v8;
	v6 =	vld.idx.msk [tilespmem:v0+s19+$0x20 ss:$0x1], $0xffff;
	s19 =	sshra.s32 s21, $0x2;
	s21 =	sadd.s32 $0x200, s21  }
0x36: {  	_ =	sdelay $0x2  }
0x37: {  	[tilespmem:s20+$0xFFFFFFD0] =	vst v5  }
0x38: {  	v56 =	vld.idx.msk [tilespmem:v0+s19+$0x30 ss:$0x1], $0xffff;
	[tilespmem:s20+$0xFFFFFFE0] =	vst v4  }
0x39: {  	v57 =	vld.idx.msk [tilespmem:v0+s19+$0xFFFFFFC0 ss:$0x1], $0xffff;
	[tilespmem:s20+$0xFFFFFFF0] =	vst v3  }
0x3a: {  	v58 =	vld.idx.msk [tilespmem:v0+s19+$0xFFFFFFD0 ss:$0x1], $0xffff;
	[tilespmem:s20+$0x0] =	vst v1  }
0x3b: {  	v59 =	vld.idx.msk [tilespmem:v0+s19+$0xFFFFFFE0 ss:$0x1], $0xffff;
	[tilespmem:s20+$0x10] =	vst v2  }
0x3c: {  	v60 =	vld.idx.msk [tilespmem:v0+s19+$0xFFFFFFF0 ss:$0x1], $0xffff;
	s31 =	sadd.s32 $0x400, s20;
	[tilespmem:s20+$0x20] =	vst v6  }
0x3d: {  	v61 =	vld.idx.msk [tilespmem:v0+s19+$0x0 ss:$0x1], $0xffff;
	[tilespmem:s31+$0x30] =	vst v56  }
0x3e: {  	v62 =	vld.idx.msk [tilespmem:v0+s19+$0x10 ss:$0x1], $0xffff;
	s18 =	sadd.s32 $0x1, s18;
	[tilespmem:s31+$0xFFFFFFC0] =	vst v57  }
0x3f: {  	v63 =	vld.idx.msk [tilespmem:v0+s19+$0x20 ss:$0x1], $0xffff;
	p1 =	sne.s32 s18, $0x8;
	[tilespmem:s31+$0xFFFFFFD0] =	vst v58  }
.Ltmp4:
0x40: {  	[tilespmem:s31+$0xFFFFFFE0] =	vst v59;
	(pc) =	sbr.rel @p1 .LBB1_4-.Ltmp4, $4  }
0x41: {  	[tilespmem:s31+$0xFFFFFFF0] =	vst v60  }
0x42: {  	[tilespmem:s31+$0x0] =	vst v61  }
0x43: {  	[tilespmem:s31+$0x10] =	vst v62  }
0x44: {  	s16 =	sadd.s32 $0x80, s16;
	s17 =	sadd.s32 $0x400, s17;
	[tilespmem:s31+$0x20] =	vst v63  }
.Ltmp5:
0x45: {  	(pc) =	sbr.rel @p0 .LBB1_3-.Ltmp5, $2  }
0x46: {  	_ =	sdelay $0x2  }
0x47: {  	s16 =	simm.s32 $0x2000;
	p1 =	por $0x0, $0x0  }
.Ltmp6:
0x48: {  	(pc) =	sbr.rel .LBB1_9-.Ltmp6, $4  }
0x49: {  	_ = 	snop  }
0x4a: {  	s12 =	sshll.u32 s12, $0xA  }
0x4b: {  	s12 =	sadd.s32 s4, s12  }
0x4c: {  	[hbm4b:s12+s8] =	stream.linear.scatter [tilespmem:s13], [sflag:$0x2], $0x4000, $0x38;
	[tilespmem:$0x10000] =	vst v63  }
.LBB1_10:
0x4d: {  	_ =	sfence.sel $0x180000  }
0x4e: {  	s2 =	simm.s32 $0x1;
	[bflag:$0x0] =	sbarrier.arrive $0xFFFF  }
0x4f: {  	s31 =	simm.s32 $0x2;
	[sflag:s2] =	ssyncpa.u1 $0x1  }
0x50: {  	[sflag:s31] =	ssyncpa.u1 $0x1  }
0x51: {  	p0 =	sne.s32 s0, $0x0;
	_ =	strace $0x90000047  }
0x52: {  	s0 =	sadd.s32 @!p0 $0x100000, s1;
	[bflag:$0x2] =	sbarrier.arrive $0xFFFF  }
0x53: {  	[sflag:s0] =	ssyncadd.tile.s32 @!p0 $0x1;
	_ =	shalt  }
.Lfunc_end1:
_tile_overlayer_lowered:
.L_overlay_start_2:
0x54: {  	(tag) =	ssettag $0x2  }
0x55: {  	s0 =	rddreg [dreg:$0x0];
	s2 =	stileid.u32  }
0x56: {  	s1 =	rddreg [dreg:$0x1];
	p0 =	sne.s32 s2, $0x0  }
0x57: {  	s3 =	rddreg [dreg:$0x2];
	[bflag:$0x3] =	sbarrier.arrive $0xFFFF;
	s2 =	simm.s32 @!p0 $0x1C01  }
0x58: {  	[timem:s3], [sflag:s2] =	dma.local @!p0 [hbm:s0], s1  }
0x59: {  	s0 =	simm.s32 @!p0 $0x1  }
0x5a: {  	_ =	swait.ge @!p0 [sflag:s0], s1  }
0x5b: {  	s1 =	ssub.s32 @!p0 $0x0, s1;
	[sflag:s0] =	ssyncset.done @!p0 $0x0  }
0x5c: {  	[sflag:s0] =	ssyncadd.s32 @!p0 s1  }
0x5d: {  	[bflag:$0x3] =	sbarrier.arrive $0xFFFF  }
0x5e: {  	_ =	shalt  }

// kernel: sparse-core-data-format-call.cloned.1.call-start
scs
called_computation_lowered:
.L_overlay_start_0:
0x0: {  	s2 =	sld [smem:$0x3FD9]  }
0x1: {  	s3 =	sld [smem:$0x3FFE];
	_ =	sdelay $0x1  }
0x2: {  	s1 =	srdreg.scid  }
0x3: {  	s0 =	sand.u32 $0x1, s1  }
0x4: {  	s15 =	sshll.u32 s0, $0xA;
	s2 =	sadd.s32 s3, s2  }
0x5: {  	s2 =	sadd.s32 s2, s15  }
0x6: {  	[smem:$0x3FC6] =	sst s2  }
0x7: {  	_ = 	snop  }
0x8: {  	s2 =	sld [smem:$0x3FD0];
	_ =	sdelay $0x2  }
0x9: {  	s16 =	simm.s32 $0xA;
	s4 =	simm.s32 $0x10  }
0xa: {  	[smem:s4], [sflag:s16] =	dma.local [hbm:s2], $0x1  }
0xb: {  	_ =	swait.eq [sflag:s16], $0x1  }
0xc: {  	[sflag:s16] =	ssyncset.done $0x0  }
0xd: {  	[sflag:s16] =	ssyncadd.s32 $0xFFFFFFFF  }
0xe: {  	s17 =	sld [smem:$0x10];
	(tm) =	ssettm $0x1  }
0xf: {  	s18 =	sld [smem:$0x3FFB];
	_ =	sdelay $0x3  }
0x10: {  	_ =	strace s18  }
0x11: {  	s3 =	sld [smem:$0x3FFC];
	_ =	sdelay $0x3  }
0x12: {  	_ =	strace s3  }
0x13: {  	s3 =	sld [smem:$0x3FFD];
	_ =	sdelay $0x3  }
0x14: {  	_ =	strace s3  }
0x15: {  	_ =	strace $0x8FFFFFFF  }
0x16: {  	s19 =	sld [smem:$0x3FDB];
	_ =	sdelay $0x1  }
0x17: {  	s20 =	simm.s32 $_scs_section_size  }
0x18: {  	s5 =	simm.s32 $_size__tile_overlayer_lowered;
	s6 =	simm.s32 $_tile_overlayer_lowered  }
0x19: {  	s23 =	simm.s32 $0x1BFF;
	s22 =	sshll.u32 s6, $0x1;
	s3 =	sadd.s32 s20, s19  }
0x1a: {  	s7 =	simm.s32 $0x0;
	s21 =	sshll.u32 s5, $0x1;
	s5 =	sadd.s32 s22, s3  }
0x1b: {  	[timem:s7], [sflag:s23] =	dma.local [hbm:s5], s21  }
0x1c: {  	_ =	swait.ge [sflag:s23], s21  }
0x1d: {  	s4 =	ssub.s32 $0x0, s21;
	[sflag:s23] =	ssyncset.done $0x0  }
0x1e: {  	[sflag:s23] =	ssyncadd.s32 s4;
	_ =	sdelay $0x1  }
0x1f: {  	s24 =	simm.s32 $0x1B8B  }
0x20: {  	_ =	swait.ge [sflag:s24], $0x1  }
0x21: {  	[sflag:s24] =	ssyncset.done $0x0  }
0x22: {  	s26 =	simm.s32 $0x1B8E;
	s25 =	sld [smem:$0x3FFE];
	[sflag:s24] =	ssyncadd.s32 $0xFFFFFFFF  }
0x23: {  	s27 =	simm.s32 $execute0_lowered;
	[smem:$0x3FD2] =	sst s26  }
0x24: {  	s5 =	sshll.u32 s27, $0x1;
	_ =	strace $0x80000049;
	[dreg:$0x1] =	wrdreg $0xFFFFFFFF  }
0x25: {  	s28 =	simm.s32 $_size_execute0_lowered;
	s3 =	sadd.s32 s3, s5;
	[dreg:$0x0] =	wrdreg $0x0  }
0x26: {  	s5 =	sshll.u32 s28, $0x1;
	[dreg:$0x2] =	wrdreg s3  }
0x27: {  	[dreg:$0x3] =	wrdreg s5  }
0x28: {  	[dreg:$0x4] =	wrdreg $0xC0  }
0x29: {  	_ =	task [dreg:s7], $0x5FFFF  }
0x2a: {  	[dreg:$0x1] =	wrdreg $0xFFFFFFFF  }
0x2b: {  	[dreg:$0x0] =	wrdreg $0x60  }
0x2c: {  	[dreg:$0x2] =	wrdreg s25  }
0x2d: {  	[dreg:$0x3] =	wrdreg s17  }
0x2e: {  	[dreg:$0x4] =	wrdreg $0x9  }
0x2f: {  	_ =	task.clear_ibuf [dreg:s7], $0x5FFFF;
	_ =	strace $0x90000049  }
0x30: {  	s29 =	simm.s32 $0x9;
	_ =	strace $0x8000004B  }
0x31: {  	_ =	swait.ge [sflag:s29], $0x1  }
0x32: {  	[sflag:s29] =	ssyncadd.s32 $0xFFFFFFFF  }
0x33: {  	_ =	strace $0x9000004B  }
0x34: {  	_ =	sfence  }
0x35: {  	s30 =	sld [smem:$0x0];
	_ =	sdelay $0x2  }
0x36: {  	s31 =	sshll.u32 s1, $0xD;
	s1 =	sshrl.u32 s1, $0x2  }
0x37: {  	s3 =	sand.u32 $0x4000, s31;
	s1 =	sadd.s32 s1, s30  }
0x38: {  	s0 =	sor.u32 s3, s0;
	s1 =	sshll.u32 s1, $0x11  }
0x39: {  	s0 =	sor.u32 s1, s0  }
0x3a: {  	s0 =	sadd.s32 $0x8F2B, s0  }
0x3b: {  	[sflag:s0] =	ssyncadd.remote.s32 $0x1  }
0x3c: {  	_ =	sfence.sel $0xFFFF  }
0x3d: {  	[dreg:$0x0] =	wrdreg $0xFFFFFFFF;
	(pc) =	sbr.abs _section_cstart, $3  }
0x3e: {  	[dreg:$0x1] =	wrdreg $0xFFFFFFFF  }
0x3f: {  	_ =	task.clear_ibuf [dreg:s7], $0x2FFFF;
	_ =	strace $0x9FFFFFFF  }
0x40: {  	(tm) =	ssettm $0x7FFFFFFF  }
0x41: {  	_ =	shalt  }
tec
execute0_lowered:
.L_overlay_start_1:
0x0: {  	(tag) =	ssettag $0x1  }
0x1: {  	s0 =	srdreg.scid  }
0x2: {  	s5 =	rddreg [dreg:$0x0];
	s1 =	sshll.u32 s0, $0x4  }
0x3: {  	s2 =	rddreg [dreg:$0x1];
	s0 =	stileid.u32;
	s1 =	sand.u32 $0x10, s1  }
0x4: {  	s4 =	simm.s32 $0x1;
	s8 =	simm.s32 $0x2;
	s1 =	sor.u32 s0, s1  }
0x5: {  	s13 =	simm.s32 $0x0;
	s9 =	simm.s32 $0x200000;
	s3 =	sshll.u32 s1, $0x4  }
0x6: {  	s10 =	simm.s32 $0x0;
	s12 =	simm.s32 $0x0;
	s6 =	ssub.s32 $0x4000, s3  }
.Ltmp0:
0x7: {  	s5 =	sadd.s32 $0xC00, s5;
	s7 =	sand.u32 $0x1F0, s6;
	(pc) =	sbr.rel .LBB1_1-.Ltmp0, $4  }
0x8: {  	s1 =	rddreg [dreg:$0x2];
	p0 =	sne.s32 s7, $0x0;
	s7 =	simm.s32 $0x1  }
0x9: {  	_ =	strace $0x8000004A;
	s6 =	sshrl.u32 s6, $0x9;
	s7 =	simm.s32 @!p0 $0x0  }
0xa: {  	[sflag:s4] =	ssyncpa.u1 $0x0;
	s11 =	smov.u32 s3;
	s6 =	sadd.s32 s7, s6  }
0xb: {  	[sflag:s8] =	ssyncpa.u1 $0x0;
	s8 =	simm.s32 $0x800;
	s7 =	sadd.s32 $0x1, s6  }
.LBB1_7:
0xc: {  	s15 =	sadd.s32 $0x200, s11  }
0xd: {  	p1 =	sgt.s32 s15, $0x3FFF  }
0xe: {  	s15 =	smov.u32 @p1 s3;
	p1 =	sne.s32 s12, s7  }
.Ltmp1:
0xf: {  	p0 =	slt.u32 s12, $0x2;
	(pc) =	sbr.rel @!p1 .LBB1_8-.Ltmp1, $4  }
0x10: {  	s14 =	simm.s32 @!p0 $0x2  }
0x11: {  	s16 =	sadd.s32 $0x1, s12;
	_ =	swait.ge @!p0 [sflag:s14], $0x4000  }
0x12: {  	s13 =	smov.u32 s11;
	s10 =	sadd.s32 $0x4000, s10;
	[sflag:s14] =	ssyncset.done @!p0 $0x0  }
0x13: {  	s12 =	smov.u32 s16;
	s11 =	smov.u32 s15;
	[sflag:s14] =	ssyncadd.s32 @!p0 $0xFFFFC000  }
.LBB1_1:
0x14: {  	p0 =	sge.u32 s12, s6  }
0x15: {  	s14 =	sxor.u32 @!p0 $0xFFFFFFFF, s12  }
0x16: {  	s31 =	sadd.s32 $0xFFFFFFFF, s12;
	s15 =	sshll.u32 @!p0 s11, $0x7;
	s14 =	sshll.u32 @!p0 s14, $0xE  }
0x17: {  	s16 =	simm.s32 @!p0 $0x0;
	s15 =	sadd.s32 @!p0 s5, s15;
	s14 =	sand.u32 @!p0 $0x4000, s14  }
0x18: {  	[tilespmem:s14], [sflag:$0x1] =	stream.linear.gather @!p0 [hbm4b:s15+s16], $0x4000, $0x38;
	[tilespmem:$0x10000] =	vst v63  }
0x19: {  	p0 =	sge.u32 s31, s6  }
.Ltmp2:
0x1a: {  	_ = 	snop;
	(pc) =	sbr.rel @p0 .LBB1_7-.Ltmp2, $1  }
0x1b: {  	_ =	sdelay $0x3  }
0x1c: {  	s15 =	sand.u32 $0x4000, s10  }
0x1d: {  	_ =	swait.ge [sflag:s4], $0x4000;
	s17 =	sshll.u32 s12, $0xE;
	s14 =	sor.u32 $0x8040, s15  }
0x1e: {  	s16 =	sor.u32 $0x40, s15;
	[sflag:s4] =	ssyncset.done $0x0;
	s31 =	sand.u32 $0x4000, s17  }
0x1f: {  	s17 =	simm.s32 $0x0;
	[sflag:s4] =	ssyncadd.s32 $0xFFFFC000;
	s15 =	sor.u32 $0x8000, s31  }
.LBB1_3:
0x20: {  	v0 =	vmov s16;
	_ =	sdelay $0x3  }
0x21: {  	s19 =	simm.s32 $0x0  }
0x22: {  	v6 =	vld.idx.msk [tilespmem:v0+s19+$0x30 ss:$0x1], $0xffff  }
0x23: {  	v7 =	vld.idx.msk [tilespmem:v0+s19+$0xFFFFFFC0 ss:$0x1], $0xffff  }
0x24: {  	v5 =	vld.idx.msk [tilespmem:v0+s19+$0xFFFFFFD0 ss:$0x1], $0xffff  }
0x25: {  	v4 =	vld.idx.msk [tilespmem:v0+s19+$0xFFFFFFE0 ss:$0x1], $0xffff  }
0x26: {  	v3 =	vld.idx.msk [tilespmem:v0+s19+$0xFFFFFFF0 ss:$0x1], $0xffff  }
0x27: {  	v1 =	vld.idx.msk [tilespmem:v0+s19+$0x0 ss:$0x1], $0xffff  }
0x28: {  	v2 =	vld.idx.msk [tilespmem:v0+s19+$0x10 ss:$0x1], $0xffff;
	[tilespmem:s14+$0x30] =	vst v6  }
0x29: {  	s18 =	simm.s32 $0x80;
	s20 =	simm.s32 $0x400;
	[tilespmem:s14+$0xFFFFFFC0] =	vst v7;
	v6 =	vld.idx.msk [tilespmem:v0+s19+$0x20 ss:$0x1], $0xffff;
	s19 =	smov.u32 s14  }
.LBB1_4:
0x2a: {  	p0 =	sne.s32 s20, $0xE00;
	v7 =	vld.idx.msk [tilespmem:v0+s18+$0x30 ss:$0x1], $0xffff;
	[tilespmem:s19+$0xFFFFFFD0] =	vst v5  }
0x2b: {  	v8 =	vld.idx.msk [tilespmem:v0+s18+$0xFFFFFFC0 ss:$0x1], $0xffff;
	[tilespmem:s19+$0xFFFFFFE0] =	vst v4  }
0x2c: {  	v5 =	vld.idx.msk [tilespmem:v0+s18+$0xFFFFFFD0 ss:$0x1], $0xffff;
	[tilespmem:s19+$0xFFFFFFF0] =	vst v3  }
.Ltmp3:
0x2d: {  	v4 =	vld.idx.msk [tilespmem:v0+s18+$0xFFFFFFE0 ss:$0x1], $0xffff;
	[tilespmem:s19+$0x0] =	vst v1;
	(pc) =	sbr.rel @p0 .LBB1_4-.Ltmp3, $4  }
0x2e: {  	v3 =	vld.idx.msk [tilespmem:v0+s18+$0xFFFFFFF0 ss:$0x1], $0xffff;
	[tilespmem:s19+$0x10] =	vst v2  }
0x2f: {  	v1 =	vld.idx.msk [tilespmem:v0+s18+$0x0 ss:$0x1], $0xffff;
	[tilespmem:s19+$0x20] =	vst v6;
	s19 =	sadd.s32 $0x800, s19  }
0x30: {  	v2 =	vld.idx.msk [tilespmem:v0+s18+$0x10 ss:$0x1], $0xffff;
	[tilespmem:s19+$0x30] =	vst v7  }
0x31: {  	[tilespmem:s19+$0xFFFFFFC0] =	vst v8;
	v6 =	vld.idx.msk [tilespmem:v0+s18+$0x20 ss:$0x1], $0xffff;
	s18 =	sshra.s32 s20, $0x2;
	s20 =	sadd.s32 $0x200, s20  }
0x32: {  	_ =	sdelay $0x2  }
0x33: {  	[tilespmem:s19+$0xFFFFFFD0] =	vst v5  }
0x34: {  	v56 =	vld.idx.msk [tilespmem:v0+s18+$0x30 ss:$0x1], $0xffff;
	[tilespmem:s19+$0xFFFFFFE0] =	vst v4  }
0x35: {  	v57 =	vld.idx.msk [tilespmem:v0+s18+$0xFFFFFFC0 ss:$0x1], $0xffff;
	[tilespmem:s19+$0xFFFFFFF0] =	vst v3  }
0x36: {  	v58 =	vld.idx.msk [tilespmem:v0+s18+$0xFFFFFFD0 ss:$0x1], $0xffff;
	[tilespmem:s19+$0x0] =	vst v1  }
0x37: {  	v59 =	vld.idx.msk [tilespmem:v0+s18+$0xFFFFFFE0 ss:$0x1], $0xffff;
	[tilespmem:s19+$0x10] =	vst v2  }
0x38: {  	v60 =	vld.idx.msk [tilespmem:v0+s18+$0xFFFFFFF0 ss:$0x1], $0xffff;
	s31 =	sadd.s32 $0x800, s19;
	[tilespmem:s19+$0x20] =	vst v6  }
0x39: {  	v61 =	vld.idx.msk [tilespmem:v0+s18+$0x0 ss:$0x1], $0xffff;
	[tilespmem:s31+$0x30] =	vst v56  }
0x3a: {  	v62 =	vld.idx.msk [tilespmem:v0+s18+$0x10 ss:$0x1], $0xffff;
	s17 =	sadd.s32 $0x1, s17;
	[tilespmem:s31+$0xFFFFFFC0] =	vst v57  }
0x3b: {  	v63 =	vld.idx.msk [tilespmem:v0+s18+$0x20 ss:$0x1], $0xffff;
	p0 =	sne.s32 s17, $0x10;
	[tilespmem:s31+$0xFFFFFFD0] =	vst v58  }
.Ltmp4:
0x3c: {  	[tilespmem:s31+$0xFFFFFFE0] =	vst v59;
	(pc) =	sbr.rel @p0 .LBB1_3-.Ltmp4, $4  }
0x3d: {  	[tilespmem:s31+$0xFFFFFFF0] =	vst v60  }
0x3e: {  	[tilespmem:s31+$0x0] =	vst v61  }
0x3f: {  	[tilespmem:s31+$0x10] =	vst v62  }
0x40: {  	s14 =	sadd.s32 $0x80, s14;
	s16 =	sadd.s32 $0x400, s16;
	[tilespmem:s31+$0x20] =	vst v63  }
.Ltmp5:
0x41: {  	(pc) =	sbr.rel .LBB1_7-.Ltmp5, $4  }
0x42: {  	s13 =	sshll.u32 s13, $0x4  }
0x43: {  	s13 =	sand.u32 $0x3FFF0, s13  }
0x44: {  	s13 =	sadd.s32 s2, s13  }
0x45: {  	[hbm4b:s13+s8] =	stream.strided.scatter [tilespmem:s15], [sflag:$0x2], $0x4000, s9, s8, $0x38;
	[tilespmem:$0x10000] =	vst v63  }
.LBB1_8:
0x46: {  	_ =	sfence.sel $0x180000  }
0x47: {  	s2 =	simm.s32 $0x1;
	[bflag:$0x0] =	sbarrier.arrive $0xFFFF  }
0x48: {  	s31 =	simm.s32 $0x2;
	[sflag:s2] =	ssyncpa.u1 $0x1  }
0x49: {  	[sflag:s31] =	ssyncpa.u1 $0x1  }
0x4a: {  	p0 =	sne.s32 s0, $0x0;
	_ =	strace $0x9000004A  }
0x4b: {  	s0 =	sadd.s32 @!p0 $0x100000, s1;
	[bflag:$0x2] =	sbarrier.arrive $0xFFFF  }
0x4c: {  	[sflag:s0] =	ssyncadd.tile.s32 @!p0 $0x1;
	_ =	shalt  }
.Lfunc_end1:
_tile_overlayer_lowered:
.L_overlay_start_2:
0x4d: {  	(tag) =	ssettag $0x2  }
0x4e: {  	s0 =	rddreg [dreg:$0x0];
	s2 =	stileid.u32  }
0x4f: {  	s1 =	rddreg [dreg:$0x1];
	p0 =	sne.s32 s2, $0x0  }
0x50: {  	s3 =	rddreg [dreg:$0x2];
	[bflag:$0x3] =	sbarrier.arrive $0xFFFF;
	s2 =	simm.s32 @!p0 $0x1C01  }
0x51: {  	[timem:s3], [sflag:s2] =	dma.local @!p0 [hbm:s0], s1  }
0x52: {  	s0 =	simm.s32 @!p0 $0x1  }
0x53: {  	_ =	swait.ge @!p0 [sflag:s0], s1  }
0x54: {  	s1 =	ssub.s32 @!p0 $0x0, s1;
	[sflag:s0] =	ssyncset.done @!p0 $0x0  }
0x55: {  	[sflag:s0] =	ssyncadd.s32 @!p0 s1  }
0x56: {  	[bflag:$0x3] =	sbarrier.arrive $0xFFFF  }
0x57: {  	_ =	shalt  }

</sc_bundles>
